<compile_context>
chip_gen: v7x
topology: tpu7x:2x2x1
jax: 0.10.2.dev20260603
libtpu: 0.0.44.dev20260713+nightly
codegen_flags: <defaults>
</compile_context>

<pallas_src>
import jax
import jax.numpy as jnp
from jax import lax
from jax.experimental import pallas as pl
from jax.experimental.pallas import tpu as pltpu
from jax.experimental.pallas import tpu_sc as plsc

D = 64
CHUNK = 128
NBUF = 4
TW = 15872


def _transpose_kernel(tt_ref, out_ref):
    t = tt_ref[...].T
    out_ref[:, :D] = t[:TW // 2]
    out_ref[:, D:] = t[TW // 2:]


def _row_major_table(table):
    v, d = table.shape
    tt = table.T
    grid = (v + TW - 1) // TW
    return pl.pallas_call(
        _transpose_kernel,
        grid=(grid,),
        in_specs=[pl.BlockSpec((d, TW), lambda i: (0, i))],
        out_specs=pl.BlockSpec((TW // 2, 2 * d), lambda i: (i, 0)),
        out_shape=jax.ShapeDtypeStruct((grid * TW // 2, 2 * d), jnp.float32),
    )(tt)


def _remap(r):
    i = r // TW
    j = r % TW
    return i * TW + 2 * (j % (TW // 2)) + j // (TW // 2)


def _out_transpose_kernel(in_ref, out_ref):
    out_ref[...] = in_ref[...].T


def _to_batch_minor(flat, nb, nt):
    bw = 128
    out = pl.pallas_call(
        _out_transpose_kernel,
        grid=(nb // bw,),
        in_specs=[pl.BlockSpec((bw, nt * D), lambda i: (i, 0))],
        out_specs=pl.BlockSpec((nt * D, bw), lambda i: (0, i)),
        out_shape=jax.ShapeDtypeStruct((nt * D, nb), jnp.float32),
    )(flat.reshape(nb, nt * D))
    return out.reshape(nt, D, nb).transpose(2, 0, 1)


def _gather_body(nch, b_per_w, nc,
                 x_hbm, table_hbm, out_hbm,
                 idx_v, rows, gsems, osems):
    wid = lax.axis_index("s") * nc + lax.axis_index("c")
    base = wid * b_per_w

    pltpu.sync_copy(x_hbm.at[wid], idx_v)

    def gather_start(j, b):
        pltpu.make_async_copy(table_hbm.at[idx_v.at[j]], rows[b], gsems[b]).start()

    def gather_wait(j, b):
        pltpu.make_async_copy(table_hbm.at[idx_v.at[j]], rows[b], gsems[b]).wait()

    def out_copy(j, b):
        dst = out_hbm.at[pl.ds(base + j * CHUNK, CHUNK)]
        cp = pltpu.make_async_copy(rows[b], dst, osems[b])
        cp.start()
        return cp

    for b in range(NBUF):
        gather_start(b, b)

    def step(g, carry):
        for b in range(NBUF):
            j = g * NBUF + b
            gather_wait(j, b)
            out_copy(j, b).wait()

            @pl.when(j + NBUF < nch)
            def _():
                gather_start(j + NBUF, b)
        return carry

    lax.fori_loop(0, nch // NBUF, step, 0)


def kernel(x, table):
    orig_shape = x.shape
    b = 1
    for s in orig_shape:
        b *= s

    info = plsc.get_sparse_core_info()
    nc, ns = info.num_cores, info.num_subcores
    nw = nc * ns
    b_per_w = b // nw
    nch = b_per_w // CHUNK
    assert b == nw * nch * CHUNK and nch % NBUF == 0

    xr = _remap(x.reshape(nw, nch, CHUNK).astype(jnp.int32))
    tp = _row_major_table(table)
    tf = tp.reshape(tp.shape[0] * 2, D)
    mesh = plsc.VectorSubcoreMesh(core_axis_name="c", subcore_axis_name="s")

    scratch = [pltpu.VMEM((nch, CHUNK), jnp.int32)]
    scratch += [pltpu.VMEM((CHUNK, D), jnp.float32) for _ in range(NBUF)]
    scratch += [pltpu.SemaphoreType.DMA for _ in range(2 * NBUF)]

    def body(x_hbm, table_hbm, out_hbm, idx_v, *rest):
        rows = rest[:NBUF]
        gsems = rest[NBUF:2 * NBUF]
        osems = rest[2 * NBUF:]
        _gather_body(nch, b_per_w, nc,
                     x_hbm, table_hbm, out_hbm, idx_v, rows, gsems, osems)

    out = pl.kernel(
        body,
        mesh=mesh,
        out_type=jax.ShapeDtypeStruct((b, D), jnp.float32),
        scratch_types=scratch,
        compiler_params=pltpu.CompilerParams(use_tc_tiling_on_sc=False),
    )(xr, tf)
    return _to_batch_minor(out, orig_shape[0], orig_shape[1])

# --- scband reference (transcript-rebuilt; emitter-appended) ---
"""Pipeline reference for scband-vocab-parallel-embedding-78022375899554 (READ-ONLY COPY).

The authoritative reference and input builder live on the scoring server;
editing this copy changes nothing except your own understanding.
"""

import jax, jax.numpy as jnp
import numpy as np

NUM_EMBEDDINGS = 1000000
EMBEDDING_DIM = 64

def setup_inputs(seed: int = 0) -> dict:
    key = jax.random.key(seed)
    k1, k2 = jax.random.split(key)
    x = jax.random.randint(k1, (4096, 200), 0, NUM_EMBEDDINGS, dtype=jnp.int64 if jax.config.jax_enable_x64 else jnp.int32)
    table = jax.random.normal(k2, (NUM_EMBEDDINGS, EMBEDDING_DIM), dtype=jnp.float32)
    return {"x": x, "table": table}

def reference(x, table):
    # tp_size == 1 path: plain embedding lookup (gather rows of the table)
    return jnp.take(table, x, axis=0)

if __name__ == "__main__":
    import jax
    _d = setup_inputs()
    print(jax.jit(kernel)(*tuple(_d.values())))

</pallas_src>

<mosaic_0001>
#map = affine_map<(d0, d1) -> (0, 0, 0)>
#map1 = affine_map<(d0, d1) -> (0, 0)>
module attributes {stable_mosaic.version = 14 : i64} {
  func.func @body(%arg0: i32, %arg1: i32, %arg2: memref<32x200x128xi32, #tpu.memory_space<hbm>>, %arg3: memref<1015808x64xf32, #tpu.memory_space<hbm>>, %arg4: memref<819200x64xf32, #tpu.memory_space<hbm>>, %arg5: memref<200x128xi32, #tpu.memory_space<vmem>>, %arg6: memref<128x64xf32, #tpu.memory_space<vmem>>, %arg7: memref<128x64xf32, #tpu.memory_space<vmem>>, %arg8: memref<128x64xf32, #tpu.memory_space<vmem>>, %arg9: memref<128x64xf32, #tpu.memory_space<vmem>>, %arg10: memref<!tpu.dma_semaphore, #tpu.memory_space<semaphore_mem>>, %arg11: memref<!tpu.dma_semaphore, #tpu.memory_space<semaphore_mem>>, %arg12: memref<!tpu.dma_semaphore, #tpu.memory_space<semaphore_mem>>, %arg13: memref<!tpu.dma_semaphore, #tpu.memory_space<semaphore_mem>>, %arg14: memref<!tpu.dma_semaphore, #tpu.memory_space<semaphore_mem>>, %arg15: memref<!tpu.dma_semaphore, #tpu.memory_space<semaphore_mem>>, %arg16: memref<!tpu.dma_semaphore, #tpu.memory_space<semaphore_mem>>, %arg17: memref<!tpu.dma_semaphore, #tpu.memory_space<semaphore_mem>>) attributes {dimension_semantics = [#tpu.dimension_semantics<core_parallel>, #tpu.dimension_semantics<subcore_parallel>], iteration_bounds = array<i64: 2, 16>, scalar_prefetch = 0 : i64, scratch_operands = 13 : i64, tpu.core_type = #tpu.core_type<sc_vector_subcore>, window_params = [{transform_indices = #map}, {transform_indices = #map1}, {transform_indices = #map1}]} {
    %mul3A = arith.constant 2 : i32
    %mul3A_0 = arith.muli %arg1, %mul3A : i32
    %add3A = arith.addi %mul3A_0, %arg0 : i32
    %mul3A_1 = arith.constant 25600 : i32
    %mul3A_2 = arith.muli %add3A, %mul3A_1 : i32
    "tpu.region"() ({
      %run_scoped3A = tpu.sem_alloc : memref<!tpu.dma_semaphore, #tpu.memory_space<semaphore_mem>>
      %dma_start3A_35 = arith.constant 0 : i32
      %dma_start3A_36 = arith.constant 0 : i32
      %dma_start3A_37 = tpu.memref_slice %arg2[%add3A, %dma_start3A_35, %dma_start3A_36] : memref<32x200x128xi32, #tpu.memory_space<hbm>> -> memref<1x200x128xi32, #tpu.memory_space<hbm>>
      %dma_start3A_38 = tpu.memref_squeeze %dma_start3A_37 : memref<1x200x128xi32, #tpu.memory_space<hbm>> -> memref<200x128xi32, #tpu.memory_space<hbm>>
      %dma_start3A_39 = arith.constant 0 : i32
      %dma_start3A_40 = arith.constant 0 : i32
      %dma_start3A_41 = tpu.memref_slice %arg2[%add3A, %dma_start3A_39, %dma_start3A_40] : memref<32x200x128xi32, #tpu.memory_space<hbm>> -> memref<1x200x128xi32, #tpu.memory_space<hbm>>
      %dma_start3A_42 = tpu.memref_squeeze %dma_start3A_41 : memref<1x200x128xi32, #tpu.memory_space<hbm>> -> memref<200x128xi32, #tpu.memory_space<hbm>>
      tpu.enqueue_dma source(%dma_start3A_42 : memref<200x128xi32, #tpu.memory_space<hbm>>) target(%arg5 : memref<200x128xi32, #tpu.memory_space<vmem>>) target_semaphore(%run_scoped3A : memref<!tpu.dma_semaphore, #tpu.memory_space<semaphore_mem>>)
      %dma_wait3A = arith.constant 0 : i32
      %dma_wait3A_43 = arith.constant 0 : i32
      %dma_wait3A_44 = tpu.memref_slice %arg2[%add3A, %dma_wait3A, %dma_wait3A_43] : memref<32x200x128xi32, #tpu.memory_space<hbm>> -> memref<1x200x128xi32, #tpu.memory_space<hbm>>
      %dma_wait3A_45 = tpu.memref_squeeze %dma_wait3A_44 : memref<1x200x128xi32, #tpu.memory_space<hbm>> -> memref<200x128xi32, #tpu.memory_space<hbm>>
      %dma_wait3A_46 = arith.constant 0 : i32
      %dma_wait3A_47 = arith.constant 0 : i32
      %dma_wait3A_48 = tpu.memref_slice %arg2[%add3A, %dma_wait3A_46, %dma_wait3A_47] : memref<32x200x128xi32, #tpu.memory_space<hbm>> -> memref<1x200x128xi32, #tpu.memory_space<hbm>>
      %dma_wait3A_49 = tpu.memref_squeeze %dma_wait3A_48 : memref<1x200x128xi32, #tpu.memory_space<hbm>> -> memref<200x128xi32, #tpu.memory_space<hbm>>
      tpu.wait_dma2 semaphore(%run_scoped3A : memref<!tpu.dma_semaphore, #tpu.memory_space<semaphore_mem>>) src(%dma_wait3A_49 : memref<200x128xi32, #tpu.memory_space<hbm>>) dst(%arg5 : memref<200x128xi32, #tpu.memory_space<vmem>>)
      tpu.yield
    }) : () -> ()
    %dma_start3A = arith.constant 0 : i32
    %dma_start3A_3 = arith.constant 0 : i32
    %dma_start3A_4 = tpu.memref_slice %arg5[%dma_start3A, %dma_start3A_3] : memref<200x128xi32, #tpu.memory_space<vmem>> -> memref<1x128xi32, #tpu.memory_space<vmem>>
    %dma_start3A_5 = tpu.memref_squeeze %dma_start3A_4 : memref<1x128xi32, #tpu.memory_space<vmem>> -> memref<128xi32, #tpu.memory_space<vmem>>
    %dma_start3A_6 = arith.constant 0 : i32
    %dma_start3A_7 = arith.constant 0 : i32
    %dma_start3A_8 = tpu.memref_slice %arg3[%dma_start3A_6, %dma_start3A_7] : memref<1015808x64xf32, #tpu.memory_space<hbm>> -> memref<1015808x64xf32, #tpu.memory_space<hbm>>
    tpu.enqueue_indirect_dma source(%dma_start3A_8 : memref<1015808x64xf32, #tpu.memory_space<hbm>>) target(%arg6 : memref<128x64xf32, #tpu.memory_space<vmem>>) offsets(%dma_start3A_5 : memref<128xi32, #tpu.memory_space<vmem>>) semaphore(%arg10 : memref<!tpu.dma_semaphore, #tpu.memory_space<semaphore_mem>>)
    %dma_start3A_9 = arith.constant 1 : i32
    %dma_start3A_10 = arith.constant 0 : i32
    %dma_start3A_11 = tpu.memref_slice %arg5[%dma_start3A_9, %dma_start3A_10] : memref<200x128xi32, #tpu.memory_space<vmem>> -> memref<1x128xi32, #tpu.memory_space<vmem>>
    %dma_start3A_12 = tpu.memref_squeeze %dma_start3A_11 : memref<1x128xi32, #tpu.memory_space<vmem>> -> memref<128xi32, #tpu.memory_space<vmem>>
    %dma_start3A_13 = arith.constant 0 : i32
    %dma_start3A_14 = arith.constant 0 : i32
    %dma_start3A_15 = tpu.memref_slice %arg3[%dma_start3A_13, %dma_start3A_14] : memref<1015808x64xf32, #tpu.memory_space<hbm>> -> memref<1015808x64xf32, #tpu.memory_space<hbm>>
    tpu.enqueue_indirect_dma source(%dma_start3A_15 : memref<1015808x64xf32, #tpu.memory_space<hbm>>) target(%arg7 : memref<128x64xf32, #tpu.memory_space<vmem>>) offsets(%dma_start3A_12 : memref<128xi32, #tpu.memory_space<vmem>>) semaphore(%arg11 : memref<!tpu.dma_semaphore, #tpu.memory_space<semaphore_mem>>)
    %dma_start3A_16 = arith.constant 2 : i32
    %dma_start3A_17 = arith.constant 0 : i32
    %dma_start3A_18 = tpu.memref_slice %arg5[%dma_start3A_16, %dma_start3A_17] : memref<200x128xi32, #tpu.memory_space<vmem>> -> memref<1x128xi32, #tpu.memory_space<vmem>>
    %dma_start3A_19 = tpu.memref_squeeze %dma_start3A_18 : memref<1x128xi32, #tpu.memory_space<vmem>> -> memref<128xi32, #tpu.memory_space<vmem>>
    %dma_start3A_20 = arith.constant 0 : i32
    %dma_start3A_21 = arith.constant 0 : i32
    %dma_start3A_22 = tpu.memref_slice %arg3[%dma_start3A_20, %dma_start3A_21] : memref<1015808x64xf32, #tpu.memory_space<hbm>> -> memref<1015808x64xf32, #tpu.memory_space<hbm>>
    tpu.enqueue_indirect_dma source(%dma_start3A_22 : memref<1015808x64xf32, #tpu.memory_space<hbm>>) target(%arg8 : memref<128x64xf32, #tpu.memory_space<vmem>>) offsets(%dma_start3A_19 : memref<128xi32, #tpu.memory_space<vmem>>) semaphore(%arg12 : memref<!tpu.dma_semaphore, #tpu.memory_space<semaphore_mem>>)
    %dma_start3A_23 = arith.constant 3 : i32
    %dma_start3A_24 = arith.constant 0 : i32
    %dma_start3A_25 = tpu.memref_slice %arg5[%dma_start3A_23, %dma_start3A_24] : memref<200x128xi32, #tpu.memory_space<vmem>> -> memref<1x128xi32, #tpu.memory_space<vmem>>
    %dma_start3A_26 = tpu.memref_squeeze %dma_start3A_25 : memref<1x128xi32, #tpu.memory_space<vmem>> -> memref<128xi32, #tpu.memory_space<vmem>>
    %dma_start3A_27 = arith.constant 0 : i32
    %dma_start3A_28 = arith.constant 0 : i32
    %dma_start3A_29 = tpu.memref_slice %arg3[%dma_start3A_27, %dma_start3A_28] : memref<1015808x64xf32, #tpu.memory_space<hbm>> -> memref<1015808x64xf32, #tpu.memory_space<hbm>>
    tpu.enqueue_indirect_dma source(%dma_start3A_29 : memref<1015808x64xf32, #tpu.memory_space<hbm>>) target(%arg9 : memref<128x64xf32, #tpu.memory_space<vmem>>) offsets(%dma_start3A_26 : memref<128xi32, #tpu.memory_space<vmem>>) semaphore(%arg13 : memref<!tpu.dma_semaphore, #tpu.memory_space<semaphore_mem>>)
    %scan3A = arith.constant 0 : i32
    %scan3A_30 = arith.constant 0 : i32
    %scan3A_31 = arith.constant 50 : i32
    %scan3A_32 = arith.addi %scan3A_30, %scan3A_31 : i32
    %scan3A_33 = arith.constant 1 : i32
    scf.for %scan3A_35 = %scan3A_30 to %scan3A_32 step %scan3A_33  : i32 {
      %mul3A_36 = arith.constant 4 : i32
      %mul3A_37 = arith.muli %scan3A_35, %mul3A_36 : i32
      %add3A_38 = arith.constant 0 : i32
      %add3A_39 = arith.addi %mul3A_37, %add3A_38 : i32
      %dma_wait3A = arith.constant 0 : i32
      %dma_wait3A_40 = tpu.memref_slice %arg5[%add3A_39, %dma_wait3A] : memref<200x128xi32, #tpu.memory_space<vmem>> -> memref<1x128xi32, #tpu.memory_space<vmem>>
      %dma_wait3A_41 = tpu.memref_squeeze %dma_wait3A_40 : memref<1x128xi32, #tpu.memory_space<vmem>> -> memref<128xi32, #tpu.memory_space<vmem>>
      %dma_wait3A_42 = arith.constant 0 : i32
      %dma_wait3A_43 = arith.constant 0 : i32
      %dma_wait3A_44 = tpu.memref_slice %arg3[%dma_wait3A_42, %dma_wait3A_43] : memref<1015808x64xf32, #tpu.memory_space<hbm>> -> memref<1015808x64xf32, #tpu.memory_space<hbm>>
      tpu.wait_indirect_dma semaphore(%arg10 : memref<!tpu.dma_semaphore, #tpu.memory_space<semaphore_mem>>) src(%dma_wait3A_44 : memref<1015808x64xf32, #tpu.memory_space<hbm>>) dst(%arg6 : memref<128x64xf32, #tpu.memory_space<vmem>>)
      %mul3A_45 = arith.constant 128 : i32
      %mul3A_46 = arith.muli %add3A_39, %mul3A_45 : i32
      %add3A_47 = arith.addi %mul3A_2, %mul3A_46 : i32
      %dma_start3A_48 = arith.constant 0 : i32
      %dma_start3A_49 = tpu.memref_slice %arg4[%add3A_47, %dma_start3A_48] : memref<819200x64xf32, #tpu.memory_space<hbm>> -> memref<128x64xf32, #tpu.memory_space<hbm>>
      %dma_start3A_50 = arith.constant 0 : i32
      %dma_start3A_51 = tpu.memref_slice %arg4[%add3A_47, %dma_start3A_50] : memref<819200x64xf32, #tpu.memory_space<hbm>> -> memref<128x64xf32, #tpu.memory_space<hbm>>
      tpu.enqueue_dma source(%arg6 : memref<128x64xf32, #tpu.memory_space<vmem>>) target(%dma_start3A_51 : memref<128x64xf32, #tpu.memory_space<hbm>>) target_semaphore(%arg14 : memref<!tpu.dma_semaphore, #tpu.memory_space<semaphore_mem>>)
      %dma_wait3A_52 = arith.constant 0 : i32
      %dma_wait3A_53 = tpu.memref_slice %arg4[%add3A_47, %dma_wait3A_52] : memref<819200x64xf32, #tpu.memory_space<hbm>> -> memref<128x64xf32, #tpu.memory_space<hbm>>
      %dma_wait3A_54 = arith.constant 0 : i32
      %dma_wait3A_55 = tpu.memref_slice %arg4[%add3A_47, %dma_wait3A_54] : memref<819200x64xf32, #tpu.memory_space<hbm>> -> memref<128x64xf32, #tpu.memory_space<hbm>>
      tpu.wait_dma2 semaphore(%arg14 : memref<!tpu.dma_semaphore, #tpu.memory_space<semaphore_mem>>) src(%arg6 : memref<128x64xf32, #tpu.memory_space<vmem>>) dst(%dma_wait3A_55 : memref<128x64xf32, #tpu.memory_space<hbm>>)
      %add3A_56 = arith.constant 4 : i32
      %add3A_57 = arith.addi %add3A_39, %add3A_56 : i32
      %lt3A = arith.constant 200 : i32
      %lt3A_58 = arith.cmpi slt, %add3A_57, %lt3A : i32
      %convert_element_type3A = arith.extui %lt3A_58 : i1 to i32
      %cond3A = arith.constant 0 : i32
      %cond3A_59 = arith.cmpi ne, %convert_element_type3A, %cond3A : i32
      scf.if %cond3A_59 {
        %add3A_144 = arith.constant 4 : i32
        %add3A_145 = arith.addi %add3A_39, %add3A_144 : i32
        %dma_start3A_146 = arith.constant 0 : i32
        %dma_start3A_147 = tpu.memref_slice %arg5[%add3A_145, %dma_start3A_146] : memref<200x128xi32, #tpu.memory_space<vmem>> -> memref<1x128xi32, #tpu.memory_space<vmem>>
        %dma_start3A_148 = tpu.memref_squeeze %dma_start3A_147 : memref<1x128xi32, #tpu.memory_space<vmem>> -> memref<128xi32, #tpu.memory_space<vmem>>
        %dma_start3A_149 = arith.constant 0 : i32
        %dma_start3A_150 = arith.constant 0 : i32
        %dma_start3A_151 = tpu.memref_slice %arg3[%dma_start3A_149, %dma_start3A_150] : memref<1015808x64xf32, #tpu.memory_space<hbm>> -> memref<1015808x64xf32, #tpu.memory_space<hbm>>
        tpu.enqueue_indirect_dma source(%dma_start3A_151 : memref<1015808x64xf32, #tpu.memory_space<hbm>>) target(%arg6 : memref<128x64xf32, #tpu.memory_space<vmem>>) offsets(%dma_start3A_148 : memref<128xi32, #tpu.memory_space<vmem>>) semaphore(%arg10 : memref<!tpu.dma_semaphore, #tpu.memory_space<semaphore_mem>>)
      } else {
      }
      %mul3A_60 = arith.constant 4 : i32
      %mul3A_61 = arith.muli %scan3A_35, %mul3A_60 : i32
      %add3A_62 = arith.constant 1 : i32
      %add3A_63 = arith.addi %mul3A_61, %add3A_62 : i32
      %dma_wait3A_64 = arith.constant 0 : i32
      %dma_wait3A_65 = tpu.memref_slice %arg5[%add3A_63, %dma_wait3A_64] : memref<200x128xi32, #tpu.memory_space<vmem>> -> memref<1x128xi32, #tpu.memory_space<vmem>>
      %dma_wait3A_66 = tpu.memref_squeeze %dma_wait3A_65 : memref<1x128xi32, #tpu.memory_space<vmem>> -> memref<128xi32, #tpu.memory_space<vmem>>
      %dma_wait3A_67 = arith.constant 0 : i32
      %dma_wait3A_68 = arith.constant 0 : i32
      %dma_wait3A_69 = tpu.memref_slice %arg3[%dma_wait3A_67, %dma_wait3A_68] : memref<1015808x64xf32, #tpu.memory_space<hbm>> -> memref<1015808x64xf32, #tpu.memory_space<hbm>>
      tpu.wait_indirect_dma semaphore(%arg11 : memref<!tpu.dma_semaphore, #tpu.memory_space<semaphore_mem>>) src(%dma_wait3A_69 : memref<1015808x64xf32, #tpu.memory_space<hbm>>) dst(%arg7 : memref<128x64xf32, #tpu.memory_space<vmem>>)
      %mul3A_70 = arith.constant 128 : i32
      %mul3A_71 = arith.muli %add3A_63, %mul3A_70 : i32
      %add3A_72 = arith.addi %mul3A_2, %mul3A_71 : i32
      %dma_start3A_73 = arith.constant 0 : i32
      %dma_start3A_74 = tpu.memref_slice %arg4[%add3A_72, %dma_start3A_73] : memref<819200x64xf32, #tpu.memory_space<hbm>> -> memref<128x64xf32, #tpu.memory_space<hbm>>
      %dma_start3A_75 = arith.constant 0 : i32
      %dma_start3A_76 = tpu.memref_slice %arg4[%add3A_72, %dma_start3A_75] : memref<819200x64xf32, #tpu.memory_space<hbm>> -> memref<128x64xf32, #tpu.memory_space<hbm>>
      tpu.enqueue_dma source(%arg7 : memref<128x64xf32, #tpu.memory_space<vmem>>) target(%dma_start3A_76 : memref<128x64xf32, #tpu.memory_space<hbm>>) target_semaphore(%arg15 : memref<!tpu.dma_semaphore, #tpu.memory_space<semaphore_mem>>)
      %dma_wait3A_77 = arith.constant 0 : i32
      %dma_wait3A_78 = tpu.memref_slice %arg4[%add3A_72, %dma_wait3A_77] : memref<819200x64xf32, #tpu.memory_space<hbm>> -> memref<128x64xf32, #tpu.memory_space<hbm>>
      %dma_wait3A_79 = arith.constant 0 : i32
      %dma_wait3A_80 = tpu.memref_slice %arg4[%add3A_72, %dma_wait3A_79] : memref<819200x64xf32, #tpu.memory_space<hbm>> -> memref<128x64xf32, #tpu.memory_space<hbm>>
      tpu.wait_dma2 semaphore(%arg15 : memref<!tpu.dma_semaphore, #tpu.memory_space<semaphore_mem>>) src(%arg7 : memref<128x64xf32, #tpu.memory_space<vmem>>) dst(%dma_wait3A_80 : memref<128x64xf32, #tpu.memory_space<hbm>>)
      %add3A_81 = arith.constant 4 : i32
      %add3A_82 = arith.addi %add3A_63, %add3A_81 : i32
      %lt3A_83 = arith.constant 200 : i32
      %lt3A_84 = arith.cmpi slt, %add3A_82, %lt3A_83 : i32
      %convert_element_type3A_85 = arith.extui %lt3A_84 : i1 to i32
      %cond3A_86 = arith.constant 0 : i32
      %cond3A_87 = arith.cmpi ne, %convert_element_type3A_85, %cond3A_86 : i32
      scf.if %cond3A_87 {
        %add3A_144 = arith.constant 4 : i32
        %add3A_145 = arith.addi %add3A_63, %add3A_144 : i32
        %dma_start3A_146 = arith.constant 0 : i32
        %dma_start3A_147 = tpu.memref_slice %arg5[%add3A_145, %dma_start3A_146] : memref<200x128xi32, #tpu.memory_space<vmem>> -> memref<1x128xi32, #tpu.memory_space<vmem>>
        %dma_start3A_148 = tpu.memref_squeeze %dma_start3A_147 : memref<1x128xi32, #tpu.memory_space<vmem>> -> memref<128xi32, #tpu.memory_space<vmem>>
        %dma_start3A_149 = arith.constant 0 : i32
        %dma_start3A_150 = arith.constant 0 : i32
        %dma_start3A_151 = tpu.memref_slice %arg3[%dma_start3A_149, %dma_start3A_150] : memref<1015808x64xf32, #tpu.memory_space<hbm>> -> memref<1015808x64xf32, #tpu.memory_space<hbm>>
        tpu.enqueue_indirect_dma source(%dma_start3A_151 : memref<1015808x64xf32, #tpu.memory_space<hbm>>) target(%arg7 : memref<128x64xf32, #tpu.memory_space<vmem>>) offsets(%dma_start3A_148 : memref<128xi32, #tpu.memory_space<vmem>>) semaphore(%arg11 : memref<!tpu.dma_semaphore, #tpu.memory_space<semaphore_mem>>)
      } else {
      }
      %mul3A_88 = arith.constant 4 : i32
      %mul3A_89 = arith.muli %scan3A_35, %mul3A_88 : i32
      %add3A_90 = arith.constant 2 : i32
      %add3A_91 = arith.addi %mul3A_89, %add3A_90 : i32
      %dma_wait3A_92 = arith.constant 0 : i32
      %dma_wait3A_93 = tpu.memref_slice %arg5[%add3A_91, %dma_wait3A_92] : memref<200x128xi32, #tpu.memory_space<vmem>> -> memref<1x128xi32, #tpu.memory_space<vmem>>
      %dma_wait3A_94 = tpu.memref_squeeze %dma_wait3A_93 : memref<1x128xi32, #tpu.memory_space<vmem>> -> memref<128xi32, #tpu.memory_space<vmem>>
      %dma_wait3A_95 = arith.constant 0 : i32
      %dma_wait3A_96 = arith.constant 0 : i32
      %dma_wait3A_97 = tpu.memref_slice %arg3[%dma_wait3A_95, %dma_wait3A_96] : memref<1015808x64xf32, #tpu.memory_space<hbm>> -> memref<1015808x64xf32, #tpu.memory_space<hbm>>
      tpu.wait_indirect_dma semaphore(%arg12 : memref<!tpu.dma_semaphore, #tpu.memory_space<semaphore_mem>>) src(%dma_wait3A_97 : memref<1015808x64xf32, #tpu.memory_space<hbm>>) dst(%arg8 : memref<128x64xf32, #tpu.memory_space<vmem>>)
      %mul3A_98 = arith.constant 128 : i32
      %mul3A_99 = arith.muli %add3A_91, %mul3A_98 : i32
      %add3A_100 = arith.addi %mul3A_2, %mul3A_99 : i32
      %dma_start3A_101 = arith.constant 0 : i32
      %dma_start3A_102 = tpu.memref_slice %arg4[%add3A_100, %dma_start3A_101] : memref<819200x64xf32, #tpu.memory_space<hbm>> -> memref<128x64xf32, #tpu.memory_space<hbm>>
      %dma_start3A_103 = arith.constant 0 : i32
      %dma_start3A_104 = tpu.memref_slice %arg4[%add3A_100, %dma_start3A_103] : memref<819200x64xf32, #tpu.memory_space<hbm>> -> memref<128x64xf32, #tpu.memory_space<hbm>>
      tpu.enqueue_dma source(%arg8 : memref<128x64xf32, #tpu.memory_space<vmem>>) target(%dma_start3A_104 : memref<128x64xf32, #tpu.memory_space<hbm>>) target_semaphore(%arg16 : memref<!tpu.dma_semaphore, #tpu.memory_space<semaphore_mem>>)
      %dma_wait3A_105 = arith.constant 0 : i32
      %dma_wait3A_106 = tpu.memref_slice %arg4[%add3A_100, %dma_wait3A_105] : memref<819200x64xf32, #tpu.memory_space<hbm>> -> memref<128x64xf32, #tpu.memory_space<hbm>>
      %dma_wait3A_107 = arith.constant 0 : i32
      %dma_wait3A_108 = tpu.memref_slice %arg4[%add3A_100, %dma_wait3A_107] : memref<819200x64xf32, #tpu.memory_space<hbm>> -> memref<128x64xf32, #tpu.memory_space<hbm>>
      tpu.wait_dma2 semaphore(%arg16 : memref<!tpu.dma_semaphore, #tpu.memory_space<semaphore_mem>>) src(%arg8 : memref<128x64xf32, #tpu.memory_space<vmem>>) dst(%dma_wait3A_108 : memref<128x64xf32, #tpu.memory_space<hbm>>)
      %add3A_109 = arith.constant 4 : i32
      %add3A_110 = arith.addi %add3A_91, %add3A_109 : i32
      %lt3A_111 = arith.constant 200 : i32
      %lt3A_112 = arith.cmpi slt, %add3A_110, %lt3A_111 : i32
      %convert_element_type3A_113 = arith.extui %lt3A_112 : i1 to i32
      %cond3A_114 = arith.constant 0 : i32
      %cond3A_115 = arith.cmpi ne, %convert_element_type3A_113, %cond3A_114 : i32
      scf.if %cond3A_115 {
        %add3A_144 = arith.constant 4 : i32
        %add3A_145 = arith.addi %add3A_91, %add3A_144 : i32
        %dma_start3A_146 = arith.constant 0 : i32
        %dma_start3A_147 = tpu.memref_slice %arg5[%add3A_145, %dma_start3A_146] : memref<200x128xi32, #tpu.memory_space<vmem>> -> memref<1x128xi32, #tpu.memory_space<vmem>>
        %dma_start3A_148 = tpu.memref_squeeze %dma_start3A_147 : memref<1x128xi32, #tpu.memory_space<vmem>> -> memref<128xi32, #tpu.memory_space<vmem>>
        %dma_start3A_149 = arith.constant 0 : i32
        %dma_start3A_150 = arith.constant 0 : i32
        %dma_start3A_151 = tpu.memref_slice %arg3[%dma_start3A_149, %dma_start3A_150] : memref<1015808x64xf32, #tpu.memory_space<hbm>> -> memref<1015808x64xf32, #tpu.memory_space<hbm>>
        tpu.enqueue_indirect_dma source(%dma_start3A_151 : memref<1015808x64xf32, #tpu.memory_space<hbm>>) target(%arg8 : memref<128x64xf32, #tpu.memory_space<vmem>>) offsets(%dma_start3A_148 : memref<128xi32, #tpu.memory_space<vmem>>) semaphore(%arg12 : memref<!tpu.dma_semaphore, #tpu.memory_space<semaphore_mem>>)
      } else {
      }
      %mul3A_116 = arith.constant 4 : i32
      %mul3A_117 = arith.muli %scan3A_35, %mul3A_116 : i32
      %add3A_118 = arith.constant 3 : i32
      %add3A_119 = arith.addi %mul3A_117, %add3A_118 : i32
      %dma_wait3A_120 = arith.constant 0 : i32
      %dma_wait3A_121 = tpu.memref_slice %arg5[%add3A_119, %dma_wait3A_120] : memref<200x128xi32, #tpu.memory_space<vmem>> -> memref<1x128xi32, #tpu.memory_space<vmem>>
      %dma_wait3A_122 = tpu.memref_squeeze %dma_wait3A_121 : memref<1x128xi32, #tpu.memory_space<vmem>> -> memref<128xi32, #tpu.memory_space<vmem>>
      %dma_wait3A_123 = arith.constant 0 : i32
      %dma_wait3A_124 = arith.constant 0 : i32
      %dma_wait3A_125 = tpu.memref_slice %arg3[%dma_wait3A_123, %dma_wait3A_124] : memref<1015808x64xf32, #tpu.memory_space<hbm>> -> memref<1015808x64xf32, #tpu.memory_space<hbm>>
      tpu.wait_indirect_dma semaphore(%arg13 : memref<!tpu.dma_semaphore, #tpu.memory_space<semaphore_mem>>) src(%dma_wait3A_125 : memref<1015808x64xf32, #tpu.memory_space<hbm>>) dst(%arg9 : memref<128x64xf32, #tpu.memory_space<vmem>>)
      %mul3A_126 = arith.constant 128 : i32
      %mul3A_127 = arith.muli %add3A_119, %mul3A_126 : i32
      %add3A_128 = arith.addi %mul3A_2, %mul3A_127 : i32
      %dma_start3A_129 = arith.constant 0 : i32
      %dma_start3A_130 = tpu.memref_slice %arg4[%add3A_128, %dma_start3A_129] : memref<819200x64xf32, #tpu.memory_space<hbm>> -> memref<128x64xf32, #tpu.memory_space<hbm>>
      %dma_start3A_131 = arith.constant 0 : i32
      %dma_start3A_132 = tpu.memref_slice %arg4[%add3A_128, %dma_start3A_131] : memref<819200x64xf32, #tpu.memory_space<hbm>> -> memref<128x64xf32, #tpu.memory_space<hbm>>
      tpu.enqueue_dma source(%arg9 : memref<128x64xf32, #tpu.memory_space<vmem>>) target(%dma_start3A_132 : memref<128x64xf32, #tpu.memory_space<hbm>>) target_semaphore(%arg17 : memref<!tpu.dma_semaphore, #tpu.memory_space<semaphore_mem>>)
      %dma_wait3A_133 = arith.constant 0 : i32
      %dma_wait3A_134 = tpu.memref_slice %arg4[%add3A_128, %dma_wait3A_133] : memref<819200x64xf32, #tpu.memory_space<hbm>> -> memref<128x64xf32, #tpu.memory_space<hbm>>
      %dma_wait3A_135 = arith.constant 0 : i32
      %dma_wait3A_136 = tpu.memref_slice %arg4[%add3A_128, %dma_wait3A_135] : memref<819200x64xf32, #tpu.memory_space<hbm>> -> memref<128x64xf32, #tpu.memory_space<hbm>>
      tpu.wait_dma2 semaphore(%arg17 : memref<!tpu.dma_semaphore, #tpu.memory_space<semaphore_mem>>) src(%arg9 : memref<128x64xf32, #tpu.memory_space<vmem>>) dst(%dma_wait3A_136 : memref<128x64xf32, #tpu.memory_space<hbm>>)
      %add3A_137 = arith.constant 4 : i32
      %add3A_138 = arith.addi %add3A_119, %add3A_137 : i32
      %lt3A_139 = arith.constant 200 : i32
      %lt3A_140 = arith.cmpi slt, %add3A_138, %lt3A_139 : i32
      %convert_element_type3A_141 = arith.extui %lt3A_140 : i1 to i32
      %cond3A_142 = arith.constant 0 : i32
      %cond3A_143 = arith.cmpi ne, %convert_element_type3A_141, %cond3A_142 : i32
      scf.if %cond3A_143 {
        %add3A_144 = arith.constant 4 : i32
        %add3A_145 = arith.addi %add3A_119, %add3A_144 : i32
        %dma_start3A_146 = arith.constant 0 : i32
        %dma_start3A_147 = tpu.memref_slice %arg5[%add3A_145, %dma_start3A_146] : memref<200x128xi32, #tpu.memory_space<vmem>> -> memref<1x128xi32, #tpu.memory_space<vmem>>
        %dma_start3A_148 = tpu.memref_squeeze %dma_start3A_147 : memref<1x128xi32, #tpu.memory_space<vmem>> -> memref<128xi32, #tpu.memory_space<vmem>>
        %dma_start3A_149 = arith.constant 0 : i32
        %dma_start3A_150 = arith.constant 0 : i32
        %dma_start3A_151 = tpu.memref_slice %arg3[%dma_start3A_149, %dma_start3A_150] : memref<1015808x64xf32, #tpu.memory_space<hbm>> -> memref<1015808x64xf32, #tpu.memory_space<hbm>>
        tpu.enqueue_indirect_dma source(%dma_start3A_151 : memref<1015808x64xf32, #tpu.memory_space<hbm>>) target(%arg9 : memref<128x64xf32, #tpu.memory_space<vmem>>) offsets(%dma_start3A_148 : memref<128xi32, #tpu.memory_space<vmem>>) semaphore(%arg13 : memref<!tpu.dma_semaphore, #tpu.memory_space<semaphore_mem>>)
      } else {
      }
    }
    %scan3A_34 = arith.constant 50 : i32
    return
  }
}

module attributes {stable_mosaic.version = 14 : i64} {
  func.func @_transpose_kernel(%arg0: i32, %arg1: memref<64x15872xf32, #tpu.memory_space<vmem>>, %arg2: memref<7936x128xf32, #tpu.memory_space<vmem>>) attributes {dimension_semantics = [#tpu.dimension_semantics<arbitrary>], iteration_bounds = array<i64: 64>, scalar_prefetch = 0 : i64, scratch_operands = 0 : i64, tpu.core_type = #tpu.core_type<tc>, window_params = [{transform_indices = @transform_0, window_bounds = array<i64: 64, 15872>}, {transform_indices = @transform_1, window_bounds = array<i64: 7936, 128>}]} {
    %get3A = arith.constant 0 : index
    %get3A_0 = arith.constant 0 : index
    %get3A_1 = vector.load %arg1[%get3A, %get3A_0] : memref<64x15872xf32, #tpu.memory_space<vmem>>, vector<64x15872xf32>
    %transpose3A = tpu.transpose %get3A_1, [1, 0] : vector<64x15872xf32> -> vector<15872x64xf32>
    %slice3A = vector.extract_strided_slice %transpose3A {offsets = [0, 0], sizes = [7936, 64], strides = [1, 1]} : vector<15872x64xf32> to vector<7936x64xf32>
    %swap3A = arith.constant 0 : index
    %swap3A_2 = arith.constant 0 : index
    %swap3A_3 = vector.load %arg2[%swap3A, %swap3A_2] : memref<7936x128xf32, #tpu.memory_space<vmem>>, vector<7936x64xf32>
    tpu.vector_store %arg2[%swap3A, %swap3A_2], %slice3A {strides = array<i32>} : memref<7936x128xf32, #tpu.memory_space<vmem>>, vector<7936x64xf32>,
    %slice3A_4 = vector.extract_strided_slice %transpose3A {offsets = [7936, 0], sizes = [7936, 64], strides = [1, 1]} : vector<15872x64xf32> to vector<7936x64xf32>
    %swap3A_5 = arith.constant 0 : index
    %swap3A_6 = arith.constant 64 : index
    %swap3A_7 = vector.load %arg2[%swap3A_5, %swap3A_6] : memref<7936x128xf32, #tpu.memory_space<vmem>>, vector<7936x64xf32>
    tpu.vector_store %arg2[%swap3A_5, %swap3A_6], %slice3A_4 {strides = array<i32>} : memref<7936x128xf32, #tpu.memory_space<vmem>>, vector<7936x64xf32>,
    return
  }
  func.func @transform_0(%arg0: i32) -> (i32, i32) {
    %c0_i32 = arith.constant 0 : i32
    %c0_i32_0 = arith.constant 0 : i32
    return %c0_i32, %arg0 : i32, i32
  }
  func.func @transform_1(%arg0: i32) -> (i32, i32) {
    %c0_i32 = arith.constant 0 : i32
    %c0_i32_0 = arith.constant 0 : i32
    return %arg0, %c0_i32 : i32, i32
  }
}

module attributes {stable_mosaic.version = 14 : i64} {
  func.func @_out_transpose_kernel(%arg0: i32, %arg1: memref<128x12800xf32, #tpu.memory_space<vmem>>, %arg2: memref<12800x128xf32, #tpu.memory_space<vmem>>) attributes {dimension_semantics = [#tpu.dimension_semantics<arbitrary>], iteration_bounds = array<i64: 32>, scalar_prefetch = 0 : i64, scratch_operands = 0 : i64, tpu.core_type = #tpu.core_type<tc>, window_params = [{transform_indices = @transform_0, window_bounds = array<i64: 128, 12800>}, {transform_indices = @transform_1, window_bounds = array<i64: 12800, 128>}]} {
    %get3A = arith.constant 0 : index
    %get3A_0 = arith.constant 0 : index
    %get3A_1 = vector.load %arg1[%get3A, %get3A_0] : memref<128x12800xf32, #tpu.memory_space<vmem>>, vector<128x12800xf32>
    %transpose3A = tpu.transpose %get3A_1, [1, 0] : vector<128x12800xf32> -> vector<12800x128xf32>
    %swap3A = arith.constant 0 : index
    %swap3A_2 = arith.constant 0 : index
    %swap3A_3 = vector.load %arg2[%swap3A, %swap3A_2] : memref<12800x128xf32, #tpu.memory_space<vmem>>, vector<12800x128xf32>
    tpu.vector_store %arg2[%swap3A, %swap3A_2], %transpose3A {strides = array<i32>} : memref<12800x128xf32, #tpu.memory_space<vmem>>, vector<12800x128xf32>,
    return
  }
  func.func @transform_0(%arg0: i32) -> (i32, i32) {
    %c0_i32 = arith.constant 0 : i32
    %c0_i32_0 = arith.constant 0 : i32
    return %arg0, %c0_i32 : i32, i32
  }
  func.func @transform_1(%arg0: i32) -> (i32, i32) {
    %c0_i32 = arith.constant 0 : i32
    %c0_i32_0 = arith.constant 0 : i32
    return %c0_i32, %arg0 : i32, i32
  }
}

</mosaic_0001>

<sc_bundles>
// kernel: kernel.5.cloned.1.call-start
scs
__scs_entry_jumppad:
0x0: {  	(pc) =	sbr.rel $0x88, $3  }
0x1: {  	(tag) =	ssettag $0x0;
	lr =	simm.s32 $0x1  }
0x2: {  	[smem:$0x3F9F] =	sst lr;
	_ =	strace $0xD0000000  }
0x3: {  	_ = 	snop  }
0x4: {  	_ = 	snop  }
0x5: {  	_ = 	snop  }
0x6: {  	_ = 	snop  }
0x7: {  	_ = 	snop  }
__scs_overlays_trampoline_lowered:
0x8: {  	[smem:$0x3FAE] =	sst s0  }
0x9: {  	[smem:$0x3FAF] =	sst s1  }
0xa: {  	[smem:$0x3FB0] =	sst s2  }
0xb: {  	[smem:$0x3FB1] =	sst s3  }
0xc: {  	[smem:$0x3FB2] =	sst s4  }
0xd: {  	[smem:$0x3FB3] =	sst s5  }
0xe: {  	[smem:$0x3FB4] =	sst s6  }
0xf: {  	[smem:$0x3FB5] =	sst s7  }
0x10: {  	[smem:$0x3FB6] =	sst s8  }
0x11: {  	[smem:$0x3FB7] =	sst s9;
	s0 =	simm.s32 @!p0 $0x0  }
0x12: {  	s1 =	sld [smem:$0x3F9D];
	s0 =	simm.s32 @p0 $0x1  }
0x13: {  	[smem:$0x3FB8] =	sst s0;
	s0 =	simm.s32 @!p1 $0x0  }
0x14: {  	s2 =	sld [smem:$0x3F9C];
	s0 =	simm.s32 @p1 $0x1  }
0x15: {  	[smem:$0x3FB9] =	sst s0;
	s0 =	simm.s32 @!p2 $0x0  }
0x16: {  	s3 =	sld [smem:$0x3FDB];
	s0 =	simm.s32 @p2 $0x1  }
0x17: {  	s4 =	simm.s32 $0x1BF5;
	[smem:$0x3FBB] =	sst s0  }
0x18: {  	s0 =	sld [smem:$0x3F9E];
	_ =	swait.ge [sflag:s4], $0x0  }
0x19: {  	s7 =	sld [smem:$0x3F9F]  }
0x1a: {  	s8 =	sadd.s32 $0xFFFFE003, lr  }
0x1b: {  	s9 =	sadd.s32 $0xFFFFFEF7, lr;
	s5 =	simm.s32 $0xFFFFFFFF;
	p2 =	slt.u32 s8, $0xFFFFF086  }
0x1c: {  	p1 =	slt.u32 s9, $0xF7A;
	s5 =	simm.s32 @!p2 $0x0  }
0x1d: {  	s5 =	simm.s32 @p1 $0x1;
	p0 =	seq.s32 s7, s2  }
0x1e: {  	s7 =	smul.u32 @!p0 $0xF7A, s2;
	p2 =	seq.s32 @!p0 s5, $0x0  }
0x1f: {  	s9 =	smul.u32 $0xF7A, s1;
	s8 =	simm.s32 @!p0 $0x1BF5;
	p2 =	por !p2, p0  }
0x20: {  	[sflag:s8] =	ssyncset.s32 @!p0 $0xFFFFF086;
	s6 =	sadd.s32 @!p0 s3, s7;
	s7 =	simm.s32 @!p0 $0x108  }
0x21: {  	s3 =	sadd.s32 s3, s9;
	s6 =	sadd.s32 @!p0 $0x88, s6;
	s7 =	simm.s32 @p2 $0x1082  }
0x22: {  	[simem:s7], [sflag:s8] =	dma.local @!p0 [hbm:s6], $0xF7A  }
0x23: {  	s9 =	sor.u32 $0xD0000000, s2;
	s6 =	simm.s32 $0x108;
	_ =	swait.ge @!p0 [sflag:s8], $0x0  }
0x24: {  	s3 =	sadd.s32 $0x88, s3;
	s6 =	simm.s32 @!p1 $0x1082;
	[sflag:s4] =	ssyncset.s32 $0xFFFFF086  }
0x25: {  	[simem:s6], [sflag:s4] =	dma.local [hbm:s3], $0xF7A  }
0x26: {  	[smem:$0x3F9F] =	sst s1;
	(tag) =	ssettag s2;
	_ =	strace s9  }
0x27: {  	s1 =	sld [smem:$0x3FAF]  }
0x28: {  	s2 =	sld [smem:$0x3FB0]  }
0x29: {  	s4 =	sld [smem:$0x3FB2]  }
0x2a: {  	p0 =	seq.s32 s5, $0x0;
	s5 =	sld [smem:$0x3FB3]  }
0x2b: {  	s6 =	sld [smem:$0x3FB4]  }
0x2c: {  	s7 =	sld [smem:$0x3FB5]  }
0x2d: {  	s3 =	simm.s32 $0x108;
	s8 =	sld [smem:$0x3FB6]  }
0x2e: {  	s3 =	simm.s32 @!p0 $0x1082;
	s9 =	sld [smem:$0x3FB7]  }
0x2f: {  	lr =	sadd.s32 s0, s3;
	s0 =	sld [smem:$0x3FAE]  }
0x30: {  	s3 =	sld [smem:$0x3FB1]  }
0x31: {  	[smem:$0x3FBA] =	sst s10  }
0x32: {  	s10 =	sld [smem:$0x3FB8];
	_ =	sdelay $0x3  }
0x33: {  	p0 =	seq.s32 s10, $0x1;
	s10 =	sld [smem:$0x3FBA];
	_ =	sdelay $0x3  }
0x34: {  	[smem:$0x3FBA] =	sst s10  }
0x35: {  	s10 =	sld [smem:$0x3FB9];
	_ =	sdelay $0x3  }
0x36: {  	p1 =	seq.s32 s10, $0x1;
	s10 =	sld [smem:$0x3FBA];
	_ =	sdelay $0x3  }
0x37: {  	[smem:$0x3FBA] =	sst s10  }
0x38: {  	s10 =	sld [smem:$0x3FBB]  }
0x39: {  	_ = 	snop;
	(pc) =	sbr.ind lr, $3  }
0x3a: {  	_ = 	snop  }
0x3b: {  	_ = 	snop  }
0x3c: {  	p2 =	seq.s32 s10, $0x1;
	s10 =	sld [smem:$0x3FBA]  }
0x3d: {  	_ =	shalt  }
0x3e: {  	_ =	shalt  }
0x3f: {  	_ =	shalt  }
0x40: {  	_ =	shalt  }
0x41: {  	_ =	shalt  }
0x42: {  	_ =	shalt  }
0x43: {  	_ =	shalt  }
0x44: {  	_ =	shalt  }
0x45: {  	_ =	shalt  }
0x46: {  	_ =	shalt  }
0x47: {  	_ =	shalt  }
0x48: {  	_ =	shalt  }
0x49: {  	_ =	shalt  }
0x4a: {  	_ =	shalt  }
0x4b: {  	_ =	shalt  }
0x4c: {  	_ =	shalt  }
0x4d: {  	_ =	shalt  }
0x4e: {  	_ =	shalt  }
0x4f: {  	_ =	shalt  }
0x50: {  	_ =	shalt  }
0x51: {  	_ =	shalt  }
0x52: {  	_ =	shalt  }
0x53: {  	_ =	shalt  }
0x54: {  	_ =	shalt  }
0x55: {  	_ =	shalt  }
0x56: {  	_ =	shalt  }
0x57: {  	_ =	shalt  }
0x58: {  	_ =	shalt  }
0x59: {  	_ =	shalt  }
0x5a: {  	_ =	shalt  }
0x5b: {  	_ =	shalt  }
0x5c: {  	_ =	shalt  }
0x5d: {  	_ =	shalt  }
0x5e: {  	_ =	shalt  }
0x5f: {  	_ =	shalt  }
0x60: {  	_ =	shalt  }
0x61: {  	_ =	shalt  }
0x62: {  	_ =	shalt  }
0x63: {  	_ =	shalt  }
0x64: {  	_ =	shalt  }
0x65: {  	_ =	shalt  }
0x66: {  	_ =	shalt  }
0x67: {  	_ =	shalt  }
0x68: {  	_ =	shalt  }
0x69: {  	_ =	shalt  }
0x6a: {  	_ =	shalt  }
0x6b: {  	_ =	shalt  }
0x6c: {  	_ =	shalt  }
0x6d: {  	_ =	shalt  }
0x6e: {  	_ =	shalt  }
0x6f: {  	_ =	shalt  }
0x70: {  	_ =	shalt  }
0x71: {  	_ =	shalt  }
0x72: {  	_ =	shalt  }
0x73: {  	_ =	shalt  }
0x74: {  	_ =	shalt  }
0x75: {  	_ =	shalt  }
0x76: {  	_ =	shalt  }
0x77: {  	_ =	shalt  }
0x78: {  	_ =	shalt  }
0x79: {  	_ =	shalt  }
0x7a: {  	_ =	shalt  }
0x7b: {  	_ =	shalt  }
0x7c: {  	_ =	shalt  }
0x7d: {  	_ =	shalt  }
0x7e: {  	_ =	shalt  }
0x7f: {  	_ =	shalt  }
0x80: {  	_ =	shalt  }
0x81: {  	_ =	shalt  }
0x82: {  	_ =	shalt  }
0x83: {  	_ =	shalt  }
0x84: {  	_ =	shalt  }
0x85: {  	_ =	shalt  }
0x86: {  	_ =	shalt  }
0x87: {  	_ =	shalt  }
.Lfunc_end0:
.L_simem_size_0:
called_computation_lowered:
.L_overlay_start_0:
0x88: {  	s2 =	sld [smem:$0x3FD9]  }
0x89: {  	s3 =	sld [smem:$0x3FFE];
	_ =	sdelay $0x1  }
0x8a: {  	s1 =	srdreg.scid  }
0x8b: {  	s0 =	sand.u32 $0x1, s1  }
0x8c: {  	s17 =	sshll.u32 s0, $0xA;
	s2 =	sadd.s32 s3, s2  }
0x8d: {  	s2 =	sadd.s32 s2, s17  }
0x8e: {  	[smem:$0x3FC6] =	sst s2  }
0x8f: {  	_ = 	snop  }
0x90: {  	s2 =	sld [smem:$0x3FD0];
	(tm) =	ssettm $0x1  }
0x91: {  	s18 =	sld [smem:$0x3FFB];
	_ =	sdelay $0x3  }
0x92: {  	_ =	strace s18  }
0x93: {  	s3 =	sld [smem:$0x3FFC];
	_ =	sdelay $0x3  }
0x94: {  	_ =	strace s3  }
0x95: {  	s3 =	sld [smem:$0x3FFD];
	_ =	sdelay $0x3  }
0x96: {  	_ =	strace s3  }
0x97: {  	_ =	strace $0x8FFFFFFF  }
0x98: {  	s19 =	sld [smem:$0x3FDB];
	_ =	sdelay $0x1  }
0x99: {  	s4 =	simm.s32 $_scs_section_size  }
0x9a: {  	s5 =	simm.s32 $_size__tile_overlayer_lowered;
	s6 =	simm.s32 $_tile_overlayer_lowered  }
0x9b: {  	s22 =	simm.s32 $0x1BFF;
	s21 =	sshll.u32 s6, $0x1;
	s3 =	sadd.s32 s4, s19  }
0x9c: {  	s7 =	simm.s32 $0x0;
	s20 =	sshll.u32 s5, $0x1;
	s5 =	sadd.s32 s21, s3  }
0x9d: {  	[timem:s7], [sflag:s22] =	dma.local [hbm:s5], s20  }
0x9e: {  	_ =	swait.ge [sflag:s22], s20  }
0x9f: {  	s4 =	ssub.s32 $0x0, s20;
	[sflag:s22] =	ssyncset.done $0x0  }
0xa0: {  	[sflag:s22] =	ssyncadd.s32 s4;
	_ =	sdelay $0x1  }
0xa1: {  	s23 =	simm.s32 $0x1B8B  }
0xa2: {  	_ =	swait.ge [sflag:s23], $0x1  }
0xa3: {  	[sflag:s23] =	ssyncset.done $0x0  }
0xa4: {  	s25 =	simm.s32 $0x1B8E;
	s24 =	sld [smem:$0x3FFE];
	[sflag:s23] =	ssyncadd.s32 $0xFFFFFFFF  }
0xa5: {  	s26 =	simm.s32 $execute0_lowered;
	[smem:$0x3FD2] =	sst s25  }
0xa6: {  	s5 =	sshll.u32 s26, $0x1;
	_ =	strace $0x80000046;
	[dreg:$0x1] =	wrdreg $0xFFFFFFFF  }
0xa7: {  	s28 =	simm.s32 $_size_execute0_lowered;
	s3 =	sadd.s32 s3, s5;
	[dreg:$0x0] =	wrdreg $0x0  }
0xa8: {  	s5 =	sshll.u32 s28, $0x1;
	[dreg:$0x2] =	wrdreg s3  }
0xa9: {  	[dreg:$0x3] =	wrdreg s5  }
0xaa: {  	[dreg:$0x4] =	wrdreg $0xC0  }
0xab: {  	_ =	task [dreg:s7], $0x5FFFF  }
0xac: {  	[dreg:$0x1] =	wrdreg $0xFFFFFFFF  }
0xad: {  	[dreg:$0x0] =	wrdreg $0x60  }
0xae: {  	[dreg:$0x2] =	wrdreg s24  }
0xaf: {  	[dreg:$0x3] =	wrdreg s2  }
0xb0: {  	[dreg:$0x4] =	wrdreg $0x9  }
0xb1: {  	_ =	task.clear_ibuf [dreg:s7], $0x5FFFF;
	_ =	strace $0x90000046  }
0xb2: {  	s29 =	simm.s32 $0x9;
	_ =	strace $0x80000048  }
0xb3: {  	_ =	swait.ge [sflag:s29], $0x1  }
0xb4: {  	[sflag:s29] =	ssyncadd.s32 $0xFFFFFFFF  }
0xb5: {  	_ =	strace $0x90000048  }
0xb6: {  	_ =	sfence  }
0xb7: {  	s30 =	sld [smem:$0x0];
	_ =	sdelay $0x2  }
0xb8: {  	s31 =	sshll.u32 s1, $0xD;
	s1 =	sshrl.u32 s1, $0x2  }
0xb9: {  	s3 =	sand.u32 $0x4000, s31;
	s1 =	sadd.s32 s1, s30  }
0xba: {  	s0 =	sor.u32 s3, s0;
	s1 =	sshll.u32 s1, $0x11  }
0xbb: {  	s0 =	sor.u32 s1, s0  }
0xbc: {  	s0 =	sadd.s32 $0x8F2B, s0  }
0xbd: {  	[sflag:s0] =	ssyncadd.remote.s32 $0x1  }
0xbe: {  	_ =	sfence.sel $0xFFFF  }
0xbf: {  	[dreg:$0x0] =	wrdreg $0xFFFFFFFF;
	(pc) =	sbr.abs _section_cstart, $3  }
0xc0: {  	[dreg:$0x1] =	wrdreg $0xFFFFFFFF  }
0xc1: {  	_ =	task.clear_ibuf [dreg:s7], $0x2FFFF;
	_ =	strace $0x9FFFFFFF  }
0xc2: {  	(tm) =	ssettm $0x7FFFFFFF  }
0xc3: {  	_ =	shalt  }
tec
execute0_lowered:
.L_overlay_start_1:
0x0: {  	(tag) =	ssettag $0x1  }
0x1: {  	s0 =	srdreg.scid  }
0x2: {  	s8 =	stileid.u32;
	s1 =	rddreg [dreg:$0x0]  }
0x3: {  	s10 =	rddreg [dreg:$0x1];
	s14 =	simm.s32 $0x9;
	s15 =	simm.s32 $0x80  }
0x4: {  	s16 =	simm.s32 $0x6400;
	s17 =	simm.s32 $0x8400;
	s19 =	simm.s32 $0xA400  }
0x5: {  	s21 =	simm.s32 $0xC400;
	s22 =	simm.s32 $0x1;
	s9 =	smul.u32 $0x320000, s8  }
0x6: {  	s0 =	sand.u32 $0x1, s0;
	s2 =	sshll.u32 s8, $0x1;
	s8 =	smul.u32 $0xC800, s8  }
0x7: {  	s23 =	simm.s32 $0x5;
	s28 =	simm.s32 $0x7;
	s11 =	smul.u32 $0x6400, s0  }
0x8: {  	s3 =	sor.u32 s0, s2;
	s5 =	ssub.s32 $0x2, s0;
	s0 =	smul.u32 $0x190000, s0  }
0x9: {  	s29 =	simm.s32 $0x4;
	s30 =	simm.s32 $0x8;
	s4 =	smul.u32 $0x6400, s3  }
0xa: {  	s31 =	simm.s32 $0x0;
	s2 =	simm.s32 $0x0;
	s6 =	smul.u32 $0x190000, s3  }
0xb: {  	[smem:$0x7FF] =	sst s2;
	s7 =	smul.u32 $0x32000, s3;
	s3 =	sadd.s32 $0xA00, s1  }
0xc: {  	s24 =	sshrl.u32 s5, $0x1;
	_ =	strace $0x80000047;
	s26 =	sadd.s32 s11, s8  }
0xd: {  	s0 =	sadd.s32 s0, s9;
	s4 =	sshrl.u32 s4, $0x3;
	s25 =	sshrl.u32 s6, $0x3  }
0xe: {  	s12 =	sadd.s32 s10, s7;
	s0 =	sshrl.u32 s0, $0x3;
	s4 =	sadd.s32 s4, s1  }
0xf: {  	s1 =	ssub.s32 s5, s24;
	s7 =	sadd.s32 $0x31400, s12;
	s8 =	sadd.s32 $0x31800, s12  }
0x10: {  	s9 =	sadd.s32 $0x31C00, s12;
	s24 =	simm.s32 $0x2;
	s4 =	sadd.s32 $0x7C0A00, s4  }
0x11: {  	s5 =	smax.u32 s1, $0x1;
	s1 =	sadd.s32 s10, s25;
	s25 =	simm.s32 $0x6  }
0x12: {  	[dreg:$0x3] =	wrdreg s4;
	s6 =	sadd.s32 $0x31000, s1;
	s1 =	sshll.u32 s26, $0x3  }
0x13: {  	s26 =	simm.s32 $0x3;
	s1 =	sadd.s32 s1, s10;
	s10 =	sadd.s32 s0, s10  }
0x14: {  	s11 =	sadd.s32 $0xC00, s1;
	s12 =	sadd.s32 $0x800, s1;
	s13 =	sadd.s32 $0x400, s1  }
.LBB2_1:
0x15: {  	s0 =	rddreg [dreg:$0x3]  }
0x16: {  	[tilespmem:s2], [sflag:$0x9] =	stream.linear.gather [hbm4b:s0+s2], $0x6400, $0x38;
	[tilespmem:$0xE400] =	vst v63  }
0x17: {  	_ =	swait.ge [sflag:s14], $0x6400  }
0x18: {  	[sflag:s14] =	ssyncset.done $0x0  }
0x19: {  	[sflag:s14] =	ssyncadd.s32 $0xFFFF9C00  }
0x1a: {  	[tilespmem:s16], [sflag:$0x1] =	stream.indirect.gather [hbm4b:s3+s15], $0x40, s2, s15, $0xb8;
	[tilespmem:$0xE400] =	vst v63  }
0x1b: {  	_ = 	snop  }
0x1c: {  	[tilespmem:s17], [sflag:$0x2] =	stream.indirect.gather [hbm4b:s3+s15], $0x40, s15, s15, $0xb8;
	[tilespmem:$0xE400] =	vst v63  }
0x1d: {  	s20 =	simm.s32 $0x100  }
0x1e: {  	[tilespmem:s19], [sflag:$0x3] =	stream.indirect.gather [hbm4b:s3+s15], $0x40, s20, s15, $0xb8;
	[tilespmem:$0xE400] =	vst v63  }
0x1f: {  	s1 =	simm.s32 $0x180  }
0x20: {  	[tilespmem:s21], [sflag:$0x4] =	stream.indirect.gather [hbm4b:s3+s15], $0x40, s1, s15, $0xb8;
	[tilespmem:$0xE400] =	vst v63  }
0x21: {  	_ =	swait.ge [sflag:s22], $0x2000  }
0x22: {  	[sflag:s22] =	ssyncset.done $0x0  }
0x23: {  	s4 =	sadd.s32 $0x0, s10;
	[sflag:s22] =	ssyncadd.s32 $0xFFFFE000  }
0x24: {  	[hbm4b:s4+s2] =	stream.linear.scatter [tilespmem:s16], [sflag:$0x5], $0x2000, $0x38;
	[tilespmem:$0xE400] =	vst v63  }
0x25: {  	_ =	swait.ge [sflag:s23], $0x2000  }
0x26: {  	[sflag:s23] =	ssyncset.done $0x0  }
0x27: {  	s18 =	simm.s32 $0x200;
	[sflag:s23] =	ssyncadd.s32 $0xFFFFE000  }
0x28: {  	[tilespmem:s16], [sflag:$0x1] =	stream.indirect.gather [hbm4b:s3+s15], $0x40, s18, s15, $0xb8;
	[tilespmem:$0xE400] =	vst v63  }
0x29: {  	_ =	swait.ge [sflag:s24], $0x2000  }
0x2a: {  	[sflag:s24] =	ssyncset.done $0x0  }
0x2b: {  	s20 =	sadd.s32 $0x0, s13;
	[sflag:s24] =	ssyncadd.s32 $0xFFFFE000  }
0x2c: {  	[hbm4b:s20+s2] =	stream.linear.scatter [tilespmem:s17], [sflag:$0x6], $0x2000, $0x38;
	[tilespmem:$0xE400] =	vst v63  }
0x2d: {  	_ =	swait.ge [sflag:s25], $0x2000  }
0x2e: {  	[sflag:s25] =	ssyncset.done $0x0  }
0x2f: {  	s1 =	simm.s32 $0x280;
	[sflag:s25] =	ssyncadd.s32 $0xFFFFE000  }
0x30: {  	[tilespmem:s17], [sflag:$0x2] =	stream.indirect.gather [hbm4b:s3+s15], $0x40, s1, s15, $0xb8;
	[tilespmem:$0xE400] =	vst v63  }
0x31: {  	_ =	swait.ge [sflag:s26], $0x2000  }
0x32: {  	[sflag:s26] =	ssyncset.done $0x0  }
0x33: {  	s4 =	sadd.s32 $0x0, s12;
	[sflag:s26] =	ssyncadd.s32 $0xFFFFE000  }
0x34: {  	[hbm4b:s4+s2] =	stream.linear.scatter [tilespmem:s19], [sflag:$0x7], $0x2000, $0x38;
	[tilespmem:$0xE400] =	vst v63  }
0x35: {  	_ =	swait.ge [sflag:s28], $0x2000  }
0x36: {  	[sflag:s28] =	ssyncset.done $0x0  }
0x37: {  	s18 =	simm.s32 $0x300;
	[sflag:s28] =	ssyncadd.s32 $0xFFFFE000  }
0x38: {  	[tilespmem:s19], [sflag:$0x3] =	stream.indirect.gather [hbm4b:s3+s15], $0x40, s18, s15, $0xb8;
	[tilespmem:$0xE400] =	vst v63  }
0x39: {  	_ =	swait.ge [sflag:s29], $0x2000  }
0x3a: {  	[sflag:s29] =	ssyncset.done $0x0  }
0x3b: {  	s20 =	sadd.s32 $0x0, s11;
	[sflag:s29] =	ssyncadd.s32 $0xFFFFE000  }
0x3c: {  	[hbm4b:s20+s2] =	stream.linear.scatter [tilespmem:s21], [sflag:$0x8], $0x2000, $0x38;
	[tilespmem:$0xE400] =	vst v63  }
0x3d: {  	_ =	swait.ge [sflag:s30], $0x2000  }
0x3e: {  	s0 =	simm.s32 $0x1000;
	[sflag:s30] =	ssyncset.done $0x0  }
0x3f: {  	s1 =	simm.s32 $0x380;
	s18 =	simm.s32 $0x580;
	[sflag:s30] =	ssyncadd.s32 $0xFFFFE000  }
.LBB2_2:
0x40: {  	[tilespmem:s21], [sflag:$0x4] =	stream.indirect.gather [hbm4b:s3+s15], $0x40, s1, s15, $0xb8;
	[tilespmem:$0xE400] =	vst v63  }
0x41: {  	s20 =	smov.u32 s0;
	s1 =	smov.u32 s18  }
0x42: {  	p0 =	sne.s32 s0, $0x30000;
	s0 =	sadd.s32 $0x1000, s0;
	_ =	swait.ge [sflag:s22], $0x2000  }
0x43: {  	[sflag:s22] =	ssyncset.done $0x0  }
0x44: {  	s4 =	sadd.s32 s20, s10;
	[sflag:s22] =	ssyncadd.s32 $0xFFFFE000  }
0x45: {  	[hbm4b:s4+s2] =	stream.linear.scatter [tilespmem:s16], [sflag:$0x5], $0x2000, $0x38;
	[tilespmem:$0xE400] =	vst v63  }
0x46: {  	_ =	swait.ge [sflag:s23], $0x2000  }
0x47: {  	[sflag:s23] =	ssyncset.done $0x0  }
0x48: {  	s4 =	sadd.s32 $0xFFFFFE80, s18;
	[sflag:s23] =	ssyncadd.s32 $0xFFFFE000  }
0x49: {  	[tilespmem:s16], [sflag:$0x1] =	stream.indirect.gather [hbm4b:s3+s15], $0x40, s4, s15, $0xb8;
	[tilespmem:$0xE400] =	vst v63  }
0x4a: {  	_ =	swait.ge [sflag:s24], $0x2000  }
0x4b: {  	[sflag:s24] =	ssyncset.done $0x0  }
0x4c: {  	s4 =	sadd.s32 s20, s13;
	[sflag:s24] =	ssyncadd.s32 $0xFFFFE000  }
0x4d: {  	[hbm4b:s4+s2] =	stream.linear.scatter [tilespmem:s17], [sflag:$0x6], $0x2000, $0x38;
	[tilespmem:$0xE400] =	vst v63  }
0x4e: {  	_ =	swait.ge [sflag:s25], $0x2000  }
0x4f: {  	[sflag:s25] =	ssyncset.done $0x0  }
0x50: {  	s4 =	sadd.s32 $0xFFFFFF00, s18;
	[sflag:s25] =	ssyncadd.s32 $0xFFFFE000  }
0x51: {  	[tilespmem:s17], [sflag:$0x2] =	stream.indirect.gather [hbm4b:s3+s15], $0x40, s4, s15, $0xb8;
	[tilespmem:$0xE400] =	vst v63  }
0x52: {  	_ =	swait.ge [sflag:s26], $0x2000  }
0x53: {  	[sflag:s26] =	ssyncset.done $0x0  }
0x54: {  	s4 =	sadd.s32 s20, s12;
	[sflag:s26] =	ssyncadd.s32 $0xFFFFE000  }
0x55: {  	[hbm4b:s4+s2] =	stream.linear.scatter [tilespmem:s19], [sflag:$0x7], $0x2000, $0x38;
	[tilespmem:$0xE400] =	vst v63  }
0x56: {  	_ =	swait.ge [sflag:s28], $0x2000  }
0x57: {  	[sflag:s28] =	ssyncset.done $0x0  }
0x58: {  	s4 =	sadd.s32 $0xFFFFFF80, s18;
	[sflag:s28] =	ssyncadd.s32 $0xFFFFE000  }
0x59: {  	[tilespmem:s19], [sflag:$0x3] =	stream.indirect.gather [hbm4b:s3+s15], $0x40, s4, s15, $0xb8;
	[tilespmem:$0xE400] =	vst v63  }
0x5a: {  	_ =	swait.ge [sflag:s29], $0x2000  }
0x5b: {  	[sflag:s29] =	ssyncset.done $0x0  }
.Ltmp0:
0x5c: {  	s4 =	sadd.s32 s20, s11;
	[sflag:s29] =	ssyncadd.s32 $0xFFFFE000;
	(pc) =	sbr.rel @p0 .LBB2_2-.Ltmp0, $4  }
0x5d: {  	[hbm4b:s4+s2] =	stream.linear.scatter [tilespmem:s21], [sflag:$0x8], $0x2000, $0x38;
	[tilespmem:$0xE400] =	vst v63  }
0x5e: {  	_ =	swait.ge [sflag:s30], $0x2000  }
0x5f: {  	[sflag:s30] =	ssyncset.done $0x0  }
0x60: {  	s18 =	sadd.s32 $0x200, s18;
	[sflag:s30] =	ssyncadd.s32 $0xFFFFE000  }
0x61: {  	[tilespmem:s21], [sflag:$0x4] =	stream.indirect.gather [hbm4b:s3+s15], $0x40, s1, s15, $0xb8;
	[tilespmem:$0xE400] =	vst v63  }
0x62: {  	_ =	swait.ge [sflag:s22], $0x2000  }
0x63: {  	[sflag:s22] =	ssyncset.done $0x0  }
0x64: {  	[sflag:s22] =	ssyncadd.s32 $0xFFFFE000  }
0x65: {  	[hbm4b:s6+s2] =	stream.linear.scatter [tilespmem:s16], [sflag:$0x5], $0x2000, $0x38;
	[tilespmem:$0xE400] =	vst v63  }
0x66: {  	_ =	swait.ge [sflag:s23], $0x2000  }
0x67: {  	[sflag:s23] =	ssyncset.done $0x0  }
0x68: {  	[sflag:s23] =	ssyncadd.s32 $0xFFFFE000  }
0x69: {  	_ =	swait.ge [sflag:s24], $0x2000  }
0x6a: {  	[sflag:s24] =	ssyncset.done $0x0  }
0x6b: {  	[sflag:s24] =	ssyncadd.s32 $0xFFFFE000  }
0x6c: {  	[hbm4b:s7+s2] =	stream.linear.scatter [tilespmem:s17], [sflag:$0x6], $0x2000, $0x38;
	[tilespmem:$0xE400] =	vst v63  }
0x6d: {  	_ =	swait.ge [sflag:s25], $0x2000  }
0x6e: {  	[sflag:s25] =	ssyncset.done $0x0  }
0x6f: {  	[sflag:s25] =	ssyncadd.s32 $0xFFFFE000  }
0x70: {  	_ =	swait.ge [sflag:s26], $0x2000  }
0x71: {  	[sflag:s26] =	ssyncset.done $0x0  }
0x72: {  	[sflag:s26] =	ssyncadd.s32 $0xFFFFE000  }
0x73: {  	[hbm4b:s8+s2] =	stream.linear.scatter [tilespmem:s19], [sflag:$0x7], $0x2000, $0x38;
	[tilespmem:$0xE400] =	vst v63  }
0x74: {  	_ =	swait.ge [sflag:s28], $0x2000  }
0x75: {  	[sflag:s28] =	ssyncset.done $0x0  }
0x76: {  	[sflag:s28] =	ssyncadd.s32 $0xFFFFE000  }
0x77: {  	s31 =	sadd.s32 $0x1, s31;
	_ =	swait.ge [sflag:s29], $0x2000  }
0x78: {  	p0 =	sne.s32 s31, s5;
	[sflag:s29] =	ssyncset.done $0x0  }
.Ltmp1:
0x79: {  	[sflag:s29] =	ssyncadd.s32 $0xFFFFE000;
	(pc) =	sbr.rel @p0 .LBB2_1-.Ltmp1, $4  }
0x7a: {  	[hbm4b:s9+s2] =	stream.linear.scatter [tilespmem:s21], [sflag:$0x8], $0x2000, $0x38;
	[tilespmem:$0xE400] =	vst v63  }
0x7b: {  	_ =	swait.ge [sflag:s30], $0x2000  }
0x7c: {  	[sflag:s30] =	ssyncset.done $0x0  }
0x7d: {  	[sflag:s30] =	ssyncadd.s32 $0xFFFFE000  }
0x7e: {  	_ =	sfence.sel $0x180000  }
0x7f: {  	[bflag:$0x0] =	sbarrier.arrive $0xFFFF  }
0x80: {  	_ =	strace $0x90000047  }
0x81: {  	s0 =	stileid.u32;
	[bflag:$0x2] =	sbarrier.arrive $0xFFFF  }
0x82: {  	p0 =	sne.s32 s0, $0x0;
	s0 =	rddreg [dreg:$0x2]  }
0x83: {  	s0 =	sadd.s32 @!p0 $0x100000, s0  }
0x84: {  	[sflag:s0] =	ssyncadd.tile.s32 @!p0 $0x1;
	_ =	shalt  }
.Lfunc_end2:
_tile_overlayer_lowered:
.L_overlay_start_2:
0x85: {  	(tag) =	ssettag $0x2  }
0x86: {  	s0 =	rddreg [dreg:$0x0];
	s2 =	stileid.u32  }
0x87: {  	s1 =	rddreg [dreg:$0x1];
	p0 =	sne.s32 s2, $0x0  }
0x88: {  	s3 =	rddreg [dreg:$0x2];
	[bflag:$0x3] =	sbarrier.arrive $0xFFFF;
	s2 =	simm.s32 @!p0 $0x1C09  }
0x89: {  	[timem:s3], [sflag:s2] =	dma.local @!p0 [hbm:s0], s1  }
0x8a: {  	s0 =	simm.s32 @!p0 $0x9  }
0x8b: {  	_ =	swait.ge @!p0 [sflag:s0], s1  }
0x8c: {  	s1 =	ssub.s32 @!p0 $0x0, s1;
	[sflag:s0] =	ssyncset.done @!p0 $0x0  }
0x8d: {  	[sflag:s0] =	ssyncadd.s32 @!p0 s1  }
0x8e: {  	[bflag:$0x3] =	sbarrier.arrive $0xFFFF  }
0x8f: {  	_ =	shalt  }

</sc_bundles>
